<compile_context>
chip_gen: v7x
topology: tpu7x:2x2x1
jax: 0.10.2.dev20260603
libtpu: 0.0.44.dev20260713+nightly
codegen_flags: <defaults>
</compile_context>

<pallas_src>
import functools

import jax
import jax.numpy as jnp
from jax import lax
from jax.experimental import pallas as pl
from jax.experimental.pallas import tpu as pltpu
from jax.experimental.pallas import tpu_sc as plsc

VOCAB = 100000
EMB_DIM = 6

_NC = 2
_NS = 16
_NW = _NC * _NS
_LANES = 16

_PROJ_BLOCK = 10240


def _proj_body(t_ref, w_ref, b_ref, o_ref):
    acc = t_ref[0] * w_ref[0, 0]
    for d in range(1, EMB_DIM):
        acc += t_ref[d] * w_ref[0, d]
    o_ref[...] = acc + b_ref[0]


def _project_table(table, W, b):
    tableT = table.T
    return pl.pallas_call(
        _proj_body,
        in_specs=[
            pl.BlockSpec(memory_space=pltpu.VMEM),
            pl.BlockSpec(memory_space=pltpu.SMEM),
            pl.BlockSpec(memory_space=pltpu.SMEM),
        ],
        out_specs=pl.BlockSpec(memory_space=pltpu.VMEM),
        out_shape=jax.ShapeDtypeStruct((VOCAB,), jnp.float32),
        compiler_params=pltpu.CompilerParams(
            allow_input_fusion=[True, False, False],
        ),
    )(tableT, W, b)


def _make_sc_gather(n_idx):
    assert n_idx % (_NW * _LANES) == 0
    bpw = n_idx // _NW

    mesh = plsc.VectorSubcoreMesh(core_axis_name="c", subcore_axis_name="s")

    @functools.partial(
        pl.kernel,
        mesh=mesh,
        out_type=jax.ShapeDtypeStruct((n_idx,), jnp.float32),
        compiler_params=pltpu.CompilerParams(needs_layout_passes=False),
        scratch_types=[
            pltpu.VMEM((VOCAB,), jnp.float32),
            pltpu.VMEM((bpw,), jnp.int32),
            pltpu.VMEM((bpw,), jnp.float32),
            pltpu.SemaphoreType.DMA,
            pltpu.SemaphoreType.DMA,
        ],
    )
    def gather_kernel(pt_hbm, idx_hbm, out_hbm, pt_v, idx_v, out_v, sem_pt, sem_ix):
        wid = lax.axis_index("s") * _NC + lax.axis_index("c")
        base = wid * bpw
        cp_pt = pltpu.async_copy(pt_hbm, pt_v, sem_pt)
        cp_ix = pltpu.async_copy(idx_hbm.at[pl.ds(base, bpw)], idx_v, sem_ix)
        cp_ix.wait()
        cp_pt.wait()

        @plsc.parallel_loop(0, bpw, _LANES, unroll=16)
        def _(i):
            ids = idx_v[pl.ds(i, _LANES)]
            out_v[pl.ds(i, _LANES)] = plsc.load_gather(pt_v, [ids])

        pltpu.sync_copy(out_v, out_hbm.at[pl.ds(base, bpw)])

    return gather_kernel


def kernel(input, table, W, b):
    B, F = input.shape
    idx = input.reshape(-1).astype(jnp.int32)
    pt = _project_table(table, W, b)
    out_flat = _make_sc_gather(idx.shape[0])(pt, idx)
    return out_flat.reshape(B, F, 1)

# --- scband reference (transcript-rebuilt; emitter-appended) ---
"""Pipeline reference for scband-sparse-model-1297080124087 (READ-ONLY COPY).

The authoritative reference and input builder live on the scoring server;
editing this copy changes nothing except your own understanding.
"""

import jax, jax.numpy as jnp
import numpy as np

VOCAB = 100000
EMB_DIM = 6

def setup_inputs(seed: int = 0) -> dict:
    key = jax.random.key(seed)
    k1, k2, k3, k4 = jax.random.split(key, 4)
    input_idx = jax.random.randint(k1, (16384, 26), 0, VOCAB, dtype=jnp.int64)
    table = jax.random.normal(k2, (VOCAB, EMB_DIM), dtype=jnp.float32)
    # nn.Linear(6, 1): weight [1, 6], bias [1]
    bound = 1.0 / np.sqrt(EMB_DIM)
    W = jax.random.uniform(k3, (1, EMB_DIM), dtype=jnp.float32, minval=-bound, maxval=bound)
    b = jax.random.uniform(k4, (1,), dtype=jnp.float32, minval=-bound, maxval=bound)
    return {"input": input_idx, "table": table, "W": W, "b": b}

def reference(input, table, W, b):
    # embedding lookup (gather)
    emb = jnp.take(table, input, axis=0)  # [B, F, 6]
    # linear layer: emb @ W.T + b
    out = jnp.einsum('bfd,od->bfo', emb, W) + b  # [B, F, 1]
    return out

if __name__ == "__main__":
    import jax
    _d = setup_inputs()
    print(jax.jit(kernel)(*tuple(_d.values())))

</pallas_src>

<mosaic_0001>
#map = affine_map<(d0, d1) -> (0)>
module attributes {stable_mosaic.version = 14 : i64} {
  func.func @gather_kernel(%arg0: i32, %arg1: i32, %arg2: memref<100000xf32, #tpu.memory_space<hbm>>, %arg3: memref<425984xi32, #tpu.memory_space<hbm>>, %arg4: memref<425984xf32, #tpu.memory_space<hbm>>, %arg5: memref<100000xf32, #tpu.memory_space<vmem>>, %arg6: memref<13312xi32, #tpu.memory_space<vmem>>, %arg7: memref<13312xf32, #tpu.memory_space<vmem>>, %arg8: memref<!tpu.dma_semaphore, #tpu.memory_space<semaphore_mem>>, %arg9: memref<!tpu.dma_semaphore, #tpu.memory_space<semaphore_mem>>) attributes {dimension_semantics = [#tpu.dimension_semantics<core_parallel>, #tpu.dimension_semantics<subcore_parallel>], iteration_bounds = array<i64: 2, 16>, scalar_prefetch = 0 : i64, scratch_operands = 5 : i64, tpu.core_type = #tpu.core_type<sc_vector_subcore>, window_params = [{transform_indices = #map}, {transform_indices = #map}, {transform_indices = #map}]} {
    %mul3A = arith.constant 2 : i32
    %mul3A_0 = arith.muli %arg1, %mul3A : i32
    %add3A = arith.addi %mul3A_0, %arg0 : i32
    %mul3A_1 = arith.constant 13312 : i32
    %mul3A_2 = arith.muli %add3A, %mul3A_1 : i32
    tpu.enqueue_dma source(%arg2 : memref<100000xf32, #tpu.memory_space<hbm>>) target(%arg5 : memref<100000xf32, #tpu.memory_space<vmem>>) target_semaphore(%arg8 : memref<!tpu.dma_semaphore, #tpu.memory_space<semaphore_mem>>)
    %dma_start3A = tpu.memref_slice %arg3[%mul3A_2] : memref<425984xi32, #tpu.memory_space<hbm>> -> memref<13312xi32, #tpu.memory_space<hbm>>
    %dma_start3A_3 = tpu.memref_slice %arg3[%mul3A_2] : memref<425984xi32, #tpu.memory_space<hbm>> -> memref<13312xi32, #tpu.memory_space<hbm>>
    tpu.enqueue_dma source(%dma_start3A_3 : memref<13312xi32, #tpu.memory_space<hbm>>) target(%arg6 : memref<13312xi32, #tpu.memory_space<vmem>>) target_semaphore(%arg9 : memref<!tpu.dma_semaphore, #tpu.memory_space<semaphore_mem>>)
    %dma_wait3A = tpu.memref_slice %arg3[%mul3A_2] : memref<425984xi32, #tpu.memory_space<hbm>> -> memref<13312xi32, #tpu.memory_space<hbm>>
    %dma_wait3A_4 = tpu.memref_slice %arg3[%mul3A_2] : memref<425984xi32, #tpu.memory_space<hbm>> -> memref<13312xi32, #tpu.memory_space<hbm>>
    tpu.wait_dma2 semaphore(%arg9 : memref<!tpu.dma_semaphore, #tpu.memory_space<semaphore_mem>>) src(%dma_wait3A_4 : memref<13312xi32, #tpu.memory_space<hbm>>) dst(%arg6 : memref<13312xi32, #tpu.memory_space<vmem>>)
    tpu.wait_dma2 semaphore(%arg8 : memref<!tpu.dma_semaphore, #tpu.memory_space<semaphore_mem>>) src(%arg2 : memref<100000xf32, #tpu.memory_space<hbm>>) dst(%arg5 : memref<100000xf32, #tpu.memory_space<vmem>>)
    %parallel_loop3A = arith.constant 0 : i32
    %parallel_loop3A_5 = arith.constant 13312 : i32
    %parallel_loop3A_6 = arith.constant 16 : i32
    scf.for %parallel_loop3A_7 = %parallel_loop3A to %parallel_loop3A_5 step %parallel_loop3A_6  : i32 {
      %parallel_loop3A_8 = arith.index_cast %parallel_loop3A_7 : i32 to index
      %parallel_loop3A_9 = tpu.vector_load %arg6[%parallel_loop3A_8] {strides = array<i32>} : memref<13312xi32, #tpu.memory_space<vmem>>, vector<16xi32>,
      %parallel_loop3A_10 = tpu.vector_load_idx %arg5[%parallel_loop3A_9] : memref<100000xf32, #tpu.memory_space<vmem>>[vector<16xi32>], vector<16xf32>,
      %parallel_loop3A_11 = arith.index_cast %parallel_loop3A_7 : i32 to index
      %parallel_loop3A_12 = tpu.vector_load %arg7[%parallel_loop3A_11] {strides = array<i32>} : memref<13312xf32, #tpu.memory_space<vmem>>, vector<16xf32>,
      tpu.vector_store %arg7[%parallel_loop3A_11], %parallel_loop3A_10 {strides = array<i32>} : memref<13312xf32, #tpu.memory_space<vmem>>, vector<16xf32>,
    } {sc.loop_unroll_factor = 16 : i64, sc.parallel_access}
    "tpu.region"() ({
      %run_scoped3A = tpu.sem_alloc : memref<!tpu.dma_semaphore, #tpu.memory_space<semaphore_mem>>
      %dma_start3A_7 = tpu.memref_slice %arg4[%mul3A_2] : memref<425984xf32, #tpu.memory_space<hbm>> -> memref<13312xf32, #tpu.memory_space<hbm>>
      %dma_start3A_8 = tpu.memref_slice %arg4[%mul3A_2] : memref<425984xf32, #tpu.memory_space<hbm>> -> memref<13312xf32, #tpu.memory_space<hbm>>
      tpu.enqueue_dma source(%arg7 : memref<13312xf32, #tpu.memory_space<vmem>>) target(%dma_start3A_8 : memref<13312xf32, #tpu.memory_space<hbm>>) target_semaphore(%run_scoped3A : memref<!tpu.dma_semaphore, #tpu.memory_space<semaphore_mem>>)
      %dma_wait3A_9 = tpu.memref_slice %arg4[%mul3A_2] : memref<425984xf32, #tpu.memory_space<hbm>> -> memref<13312xf32, #tpu.memory_space<hbm>>
      %dma_wait3A_10 = tpu.memref_slice %arg4[%mul3A_2] : memref<425984xf32, #tpu.memory_space<hbm>> -> memref<13312xf32, #tpu.memory_space<hbm>>
      tpu.wait_dma2 semaphore(%run_scoped3A : memref<!tpu.dma_semaphore, #tpu.memory_space<semaphore_mem>>) src(%arg7 : memref<13312xf32, #tpu.memory_space<vmem>>) dst(%dma_wait3A_10 : memref<13312xf32, #tpu.memory_space<hbm>>)
      tpu.yield
    }) : () -> ()
    return
  }
}

module attributes {stable_mosaic.version = 14 : i64} {
  func.func @_proj_body(%arg0: memref<6x100000xf32, #tpu.memory_space<vmem>>, %arg1: memref<1x6xf32, #tpu.memory_space<smem>>, %arg2: memref<1xf32, #tpu.memory_space<smem>>, %arg3: memref<100000xf32, #tpu.memory_space<vmem>>) attributes {dimension_semantics = [], scalar_prefetch = 0 : i64, scratch_operands = 0 : i64, tpu.core_type = #tpu.core_type<tc>} {
    %get3A = arith.constant 0 : index
    %get3A_0 = arith.constant 0 : index
    %get3A_1 = vector.load %arg0[%get3A, %get3A_0] : memref<6x100000xf32, #tpu.memory_space<vmem>>, vector<1x100000xf32>
    %get3A_2 = vector.shape_cast %get3A_1 : vector<1x100000xf32> to vector<100000xf32>
    %get3A_3 = arith.constant 0 : index
    %get3A_4 = arith.constant 0 : index
    %get3A_5 = memref.load %arg1[%get3A_3, %get3A_4] : memref<1x6xf32, #tpu.memory_space<smem>>
    %mul3A = vector.broadcast %get3A_5 : f32 to vector<100000xf32>
    %mul3A_6 = arith.mulf %get3A_2, %mul3A : vector<100000xf32>
    %get3A_7 = arith.constant 1 : index
    %get3A_8 = arith.constant 0 : index
    %get3A_9 = vector.load %arg0[%get3A_7, %get3A_8] : memref<6x100000xf32, #tpu.memory_space<vmem>>, vector<1x100000xf32>
    %get3A_10 = vector.shape_cast %get3A_9 : vector<1x100000xf32> to vector<100000xf32>
    %get3A_11 = arith.constant 0 : index
    %get3A_12 = arith.constant 1 : index
    %get3A_13 = memref.load %arg1[%get3A_11, %get3A_12] : memref<1x6xf32, #tpu.memory_space<smem>>
    %mul3A_14 = vector.broadcast %get3A_13 : f32 to vector<100000xf32>
    %mul3A_15 = arith.mulf %get3A_10, %mul3A_14 : vector<100000xf32>
    %add3A = arith.addf %mul3A_6, %mul3A_15 : vector<100000xf32>
    %get3A_16 = arith.constant 2 : index
    %get3A_17 = arith.constant 0 : index
    %get3A_18 = vector.load %arg0[%get3A_16, %get3A_17] : memref<6x100000xf32, #tpu.memory_space<vmem>>, vector<1x100000xf32>
    %get3A_19 = vector.shape_cast %get3A_18 : vector<1x100000xf32> to vector<100000xf32>
    %get3A_20 = arith.constant 0 : index
    %get3A_21 = arith.constant 2 : index
    %get3A_22 = memref.load %arg1[%get3A_20, %get3A_21] : memref<1x6xf32, #tpu.memory_space<smem>>
    %mul3A_23 = vector.broadcast %get3A_22 : f32 to vector<100000xf32>
    %mul3A_24 = arith.mulf %get3A_19, %mul3A_23 : vector<100000xf32>
    %add3A_25 = arith.addf %add3A, %mul3A_24 : vector<100000xf32>
    %get3A_26 = arith.constant 3 : index
    %get3A_27 = arith.constant 0 : index
    %get3A_28 = vector.load %arg0[%get3A_26, %get3A_27] : memref<6x100000xf32, #tpu.memory_space<vmem>>, vector<1x100000xf32>
    %get3A_29 = vector.shape_cast %get3A_28 : vector<1x100000xf32> to vector<100000xf32>
    %get3A_30 = arith.constant 0 : index
    %get3A_31 = arith.constant 3 : index
    %get3A_32 = memref.load %arg1[%get3A_30, %get3A_31] : memref<1x6xf32, #tpu.memory_space<smem>>
    %mul3A_33 = vector.broadcast %get3A_32 : f32 to vector<100000xf32>
    %mul3A_34 = arith.mulf %get3A_29, %mul3A_33 : vector<100000xf32>
    %add3A_35 = arith.addf %add3A_25, %mul3A_34 : vector<100000xf32>
    %get3A_36 = arith.constant 4 : index
    %get3A_37 = arith.constant 0 : index
    %get3A_38 = vector.load %arg0[%get3A_36, %get3A_37] : memref<6x100000xf32, #tpu.memory_space<vmem>>, vector<1x100000xf32>
    %get3A_39 = vector.shape_cast %get3A_38 : vector<1x100000xf32> to vector<100000xf32>
    %get3A_40 = arith.constant 0 : index
    %get3A_41 = arith.constant 4 : index
    %get3A_42 = memref.load %arg1[%get3A_40, %get3A_41] : memref<1x6xf32, #tpu.memory_space<smem>>
    %mul3A_43 = vector.broadcast %get3A_42 : f32 to vector<100000xf32>
    %mul3A_44 = arith.mulf %get3A_39, %mul3A_43 : vector<100000xf32>
    %add3A_45 = arith.addf %add3A_35, %mul3A_44 : vector<100000xf32>
    %get3A_46 = arith.constant 5 : index
    %get3A_47 = arith.constant 0 : index
    %get3A_48 = vector.load %arg0[%get3A_46, %get3A_47] : memref<6x100000xf32, #tpu.memory_space<vmem>>, vector<1x100000xf32>
    %get3A_49 = vector.shape_cast %get3A_48 : vector<1x100000xf32> to vector<100000xf32>
    %get3A_50 = arith.constant 0 : index
    %get3A_51 = arith.constant 5 : index
    %get3A_52 = memref.load %arg1[%get3A_50, %get3A_51] : memref<1x6xf32, #tpu.memory_space<smem>>
    %mul3A_53 = vector.broadcast %get3A_52 : f32 to vector<100000xf32>
    %mul3A_54 = arith.mulf %get3A_49, %mul3A_53 : vector<100000xf32>
    %add3A_55 = arith.addf %add3A_45, %mul3A_54 : vector<100000xf32>
    %get3A_56 = arith.constant 0 : index
    %get3A_57 = memref.load %arg2[%get3A_56] : memref<1xf32, #tpu.memory_space<smem>>
    %add3A_58 = vector.broadcast %get3A_57 : f32 to vector<100000xf32>
    %add3A_59 = arith.addf %add3A_55, %add3A_58 : vector<100000xf32>
    %swap3A = arith.constant 0 : index
    %swap3A_60 = vector.load %arg3[%swap3A] : memref<100000xf32, #tpu.memory_space<vmem>>, vector<100000xf32>
    tpu.vector_store %arg3[%swap3A], %add3A_59 {strides = array<i32>} : memref<100000xf32, #tpu.memory_space<vmem>>, vector<100000xf32>,
    return
  }
}

</mosaic_0001>

<sc_bundles>
// kernel: kernel.5.cloned.1.call-start
scs
__scs_entry_jumppad:
0x0: {  	(pc) =	sbr.rel $0x88, $3  }
0x1: {  	(tag) =	ssettag $0x0;
	lr =	simm.s32 $0x1  }
0x2: {  	[smem:$0x3F9D] =	sst lr;
	_ =	strace $0xD0000000  }
0x3: {  	_ = 	snop  }
0x4: {  	_ = 	snop  }
0x5: {  	_ = 	snop  }
0x6: {  	_ = 	snop  }
0x7: {  	_ = 	snop  }
__scs_overlays_trampoline_lowered:
0x8: {  	[smem:$0x3FAC] =	sst s0  }
0x9: {  	[smem:$0x3FAD] =	sst s1  }
0xa: {  	[smem:$0x3FAE] =	sst s2  }
0xb: {  	[smem:$0x3FAF] =	sst s3  }
0xc: {  	[smem:$0x3FB0] =	sst s4  }
0xd: {  	[smem:$0x3FB1] =	sst s5  }
0xe: {  	[smem:$0x3FB2] =	sst s6  }
0xf: {  	[smem:$0x3FB3] =	sst s7  }
0x10: {  	[smem:$0x3FB4] =	sst s8  }
0x11: {  	[smem:$0x3FB5] =	sst s9;
	s0 =	simm.s32 @!p0 $0x0  }
0x12: {  	s1 =	sld [smem:$0x3F9B];
	s0 =	simm.s32 @p0 $0x1  }
0x13: {  	[smem:$0x3FB6] =	sst s0;
	s0 =	simm.s32 @!p1 $0x0  }
0x14: {  	s2 =	sld [smem:$0x3F9A];
	s0 =	simm.s32 @p1 $0x1  }
0x15: {  	[smem:$0x3FB7] =	sst s0;
	s0 =	simm.s32 @!p2 $0x0  }
0x16: {  	s3 =	sld [smem:$0x3FDB];
	s0 =	simm.s32 @p2 $0x1  }
0x17: {  	s4 =	simm.s32 $0x1BF5;
	[smem:$0x3FB9] =	sst s0  }
0x18: {  	s0 =	sld [smem:$0x3F9C];
	_ =	swait.ge [sflag:s4], $0x0  }
0x19: {  	s7 =	sld [smem:$0x3F9D]  }
0x1a: {  	s8 =	sadd.s32 $0xFFFFE003, lr  }
0x1b: {  	s9 =	sadd.s32 $0xFFFFFEF7, lr;
	s5 =	simm.s32 $0xFFFFFFFF;
	p2 =	slt.u32 s8, $0xFFFFF086  }
0x1c: {  	p1 =	slt.u32 s9, $0xF7A;
	s5 =	simm.s32 @!p2 $0x0  }
0x1d: {  	s5 =	simm.s32 @p1 $0x1;
	p0 =	seq.s32 s7, s2  }
0x1e: {  	s7 =	smul.u32 @!p0 $0xF7A, s2;
	p2 =	seq.s32 @!p0 s5, $0x0  }
0x1f: {  	s9 =	smul.u32 $0xF7A, s1;
	s8 =	simm.s32 @!p0 $0x1BF5;
	p2 =	por !p2, p0  }
0x20: {  	[sflag:s8] =	ssyncset.s32 @!p0 $0xFFFFF086;
	s6 =	sadd.s32 @!p0 s3, s7;
	s7 =	simm.s32 @!p0 $0x108  }
0x21: {  	s3 =	sadd.s32 s3, s9;
	s6 =	sadd.s32 @!p0 $0x88, s6;
	s7 =	simm.s32 @p2 $0x1082  }
0x22: {  	[simem:s7], [sflag:s8] =	dma.local @!p0 [hbm:s6], $0xF7A  }
0x23: {  	s9 =	sor.u32 $0xD0000000, s2;
	s6 =	simm.s32 $0x108;
	_ =	swait.ge @!p0 [sflag:s8], $0x0  }
0x24: {  	s3 =	sadd.s32 $0x88, s3;
	s6 =	simm.s32 @!p1 $0x1082;
	[sflag:s4] =	ssyncset.s32 $0xFFFFF086  }
0x25: {  	[simem:s6], [sflag:s4] =	dma.local [hbm:s3], $0xF7A  }
0x26: {  	[smem:$0x3F9D] =	sst s1;
	(tag) =	ssettag s2;
	_ =	strace s9  }
0x27: {  	s1 =	sld [smem:$0x3FAD]  }
0x28: {  	s2 =	sld [smem:$0x3FAE]  }
0x29: {  	s4 =	sld [smem:$0x3FB0]  }
0x2a: {  	p0 =	seq.s32 s5, $0x0;
	s5 =	sld [smem:$0x3FB1]  }
0x2b: {  	s6 =	sld [smem:$0x3FB2]  }
0x2c: {  	s7 =	sld [smem:$0x3FB3]  }
0x2d: {  	s3 =	simm.s32 $0x108;
	s8 =	sld [smem:$0x3FB4]  }
0x2e: {  	s3 =	simm.s32 @!p0 $0x1082;
	s9 =	sld [smem:$0x3FB5]  }
0x2f: {  	lr =	sadd.s32 s0, s3;
	s0 =	sld [smem:$0x3FAC]  }
0x30: {  	s3 =	sld [smem:$0x3FAF]  }
0x31: {  	[smem:$0x3FB8] =	sst s10  }
0x32: {  	s10 =	sld [smem:$0x3FB6];
	_ =	sdelay $0x3  }
0x33: {  	p0 =	seq.s32 s10, $0x1;
	s10 =	sld [smem:$0x3FB8];
	_ =	sdelay $0x3  }
0x34: {  	[smem:$0x3FB8] =	sst s10  }
0x35: {  	s10 =	sld [smem:$0x3FB7];
	_ =	sdelay $0x3  }
0x36: {  	p1 =	seq.s32 s10, $0x1;
	s10 =	sld [smem:$0x3FB8];
	_ =	sdelay $0x3  }
0x37: {  	[smem:$0x3FB8] =	sst s10  }
0x38: {  	s10 =	sld [smem:$0x3FB9]  }
0x39: {  	_ = 	snop;
	(pc) =	sbr.ind lr, $3  }
0x3a: {  	_ = 	snop  }
0x3b: {  	_ = 	snop  }
0x3c: {  	p2 =	seq.s32 s10, $0x1;
	s10 =	sld [smem:$0x3FB8]  }
0x3d: {  	_ =	shalt  }
0x3e: {  	_ =	shalt  }
0x3f: {  	_ =	shalt  }
0x40: {  	_ =	shalt  }
0x41: {  	_ =	shalt  }
0x42: {  	_ =	shalt  }
0x43: {  	_ =	shalt  }
0x44: {  	_ =	shalt  }
0x45: {  	_ =	shalt  }
0x46: {  	_ =	shalt  }
0x47: {  	_ =	shalt  }
0x48: {  	_ =	shalt  }
0x49: {  	_ =	shalt  }
0x4a: {  	_ =	shalt  }
0x4b: {  	_ =	shalt  }
0x4c: {  	_ =	shalt  }
0x4d: {  	_ =	shalt  }
0x4e: {  	_ =	shalt  }
0x4f: {  	_ =	shalt  }
0x50: {  	_ =	shalt  }
0x51: {  	_ =	shalt  }
0x52: {  	_ =	shalt  }
0x53: {  	_ =	shalt  }
0x54: {  	_ =	shalt  }
0x55: {  	_ =	shalt  }
0x56: {  	_ =	shalt  }
0x57: {  	_ =	shalt  }
0x58: {  	_ =	shalt  }
0x59: {  	_ =	shalt  }
0x5a: {  	_ =	shalt  }
0x5b: {  	_ =	shalt  }
0x5c: {  	_ =	shalt  }
0x5d: {  	_ =	shalt  }
0x5e: {  	_ =	shalt  }
0x5f: {  	_ =	shalt  }
0x60: {  	_ =	shalt  }
0x61: {  	_ =	shalt  }
0x62: {  	_ =	shalt  }
0x63: {  	_ =	shalt  }
0x64: {  	_ =	shalt  }
0x65: {  	_ =	shalt  }
0x66: {  	_ =	shalt  }
0x67: {  	_ =	shalt  }
0x68: {  	_ =	shalt  }
0x69: {  	_ =	shalt  }
0x6a: {  	_ =	shalt  }
0x6b: {  	_ =	shalt  }
0x6c: {  	_ =	shalt  }
0x6d: {  	_ =	shalt  }
0x6e: {  	_ =	shalt  }
0x6f: {  	_ =	shalt  }
0x70: {  	_ =	shalt  }
0x71: {  	_ =	shalt  }
0x72: {  	_ =	shalt  }
0x73: {  	_ =	shalt  }
0x74: {  	_ =	shalt  }
0x75: {  	_ =	shalt  }
0x76: {  	_ =	shalt  }
0x77: {  	_ =	shalt  }
0x78: {  	_ =	shalt  }
0x79: {  	_ =	shalt  }
0x7a: {  	_ =	shalt  }
0x7b: {  	_ =	shalt  }
0x7c: {  	_ =	shalt  }
0x7d: {  	_ =	shalt  }
0x7e: {  	_ =	shalt  }
0x7f: {  	_ =	shalt  }
0x80: {  	_ =	shalt  }
0x81: {  	_ =	shalt  }
0x82: {  	_ =	shalt  }
0x83: {  	_ =	shalt  }
0x84: {  	_ =	shalt  }
0x85: {  	_ =	shalt  }
0x86: {  	_ =	shalt  }
0x87: {  	_ =	shalt  }
.Lfunc_end0:
.L_simem_size_0:
called_computation_lowered:
.L_overlay_start_0:
0x88: {  	s2 =	sld [smem:$0x3FD9]  }
0x89: {  	s3 =	sld [smem:$0x3FFE];
	_ =	sdelay $0x1  }
0x8a: {  	s1 =	srdreg.scid  }
0x8b: {  	s0 =	sand.u32 $0x1, s1  }
0x8c: {  	s17 =	sshll.u32 s0, $0xA;
	s2 =	sadd.s32 s3, s2  }
0x8d: {  	s2 =	sadd.s32 s2, s17  }
0x8e: {  	[smem:$0x3FC4] =	sst s2  }
0x8f: {  	_ = 	snop  }
0x90: {  	s2 =	sld [smem:$0x3FD0];
	(tm) =	ssettm $0x1  }
0x91: {  	s18 =	sld [smem:$0x3FFB];
	_ =	sdelay $0x3  }
0x92: {  	_ =	strace s18  }
0x93: {  	s3 =	sld [smem:$0x3FFC];
	_ =	sdelay $0x3  }
0x94: {  	_ =	strace s3  }
0x95: {  	s3 =	sld [smem:$0x3FFD];
	_ =	sdelay $0x3  }
0x96: {  	_ =	strace s3  }
0x97: {  	_ =	strace $0x8FFFFFFF  }
0x98: {  	s19 =	sld [smem:$0x3FDB];
	_ =	sdelay $0x1  }
0x99: {  	s4 =	simm.s32 $_scs_section_size  }
0x9a: {  	s5 =	simm.s32 $_size__tile_overlayer_lowered;
	s6 =	simm.s32 $_tile_overlayer_lowered  }
0x9b: {  	s22 =	simm.s32 $0x1BFF;
	s21 =	sshll.u32 s6, $0x1;
	s3 =	sadd.s32 s4, s19  }
0x9c: {  	s7 =	simm.s32 $0x0;
	s20 =	sshll.u32 s5, $0x1;
	s5 =	sadd.s32 s21, s3  }
0x9d: {  	[timem:s7], [sflag:s22] =	dma.local [hbm:s5], s20  }
0x9e: {  	_ =	swait.ge [sflag:s22], s20  }
0x9f: {  	s4 =	ssub.s32 $0x0, s20;
	[sflag:s22] =	ssyncset.done $0x0  }
0xa0: {  	[sflag:s22] =	ssyncadd.s32 s4;
	_ =	sdelay $0x1  }
0xa1: {  	s23 =	simm.s32 $0x1B8B  }
0xa2: {  	_ =	swait.ge [sflag:s23], $0x1  }
0xa3: {  	[sflag:s23] =	ssyncset.done $0x0  }
0xa4: {  	s25 =	simm.s32 $0x1B8E;
	s24 =	sld [smem:$0x3FFE];
	[sflag:s23] =	ssyncadd.s32 $0xFFFFFFFF  }
0xa5: {  	s26 =	simm.s32 $execute0_lowered;
	[smem:$0x3FD2] =	sst s25  }
0xa6: {  	s5 =	sshll.u32 s26, $0x1;
	_ =	strace $0x80000046;
	[dreg:$0x1] =	wrdreg $0xFFFFFFFF  }
0xa7: {  	s28 =	simm.s32 $_size_execute0_lowered;
	s3 =	sadd.s32 s3, s5;
	[dreg:$0x0] =	wrdreg $0x0  }
0xa8: {  	s5 =	sshll.u32 s28, $0x1;
	[dreg:$0x2] =	wrdreg s3  }
0xa9: {  	[dreg:$0x3] =	wrdreg s5  }
0xaa: {  	[dreg:$0x4] =	wrdreg $0xC0  }
0xab: {  	_ =	task [dreg:s7], $0x5FFFF  }
0xac: {  	[dreg:$0x1] =	wrdreg $0xFFFFFFFF  }
0xad: {  	[dreg:$0x0] =	wrdreg $0x60  }
0xae: {  	[dreg:$0x2] =	wrdreg s24  }
0xaf: {  	[dreg:$0x3] =	wrdreg s2  }
0xb0: {  	[dreg:$0x4] =	wrdreg $0x9  }
0xb1: {  	_ =	task.clear_ibuf [dreg:s7], $0x5FFFF;
	_ =	strace $0x90000046  }
0xb2: {  	s29 =	simm.s32 $0x9;
	_ =	strace $0x80000048  }
0xb3: {  	_ =	swait.ge [sflag:s29], $0x1  }
0xb4: {  	[sflag:s29] =	ssyncadd.s32 $0xFFFFFFFF  }
0xb5: {  	_ =	strace $0x90000048  }
0xb6: {  	_ =	sfence  }
0xb7: {  	s30 =	sld [smem:$0x0];
	_ =	sdelay $0x2  }
0xb8: {  	s31 =	sshll.u32 s1, $0xD;
	s1 =	sshrl.u32 s1, $0x2  }
0xb9: {  	s3 =	sand.u32 $0x4000, s31;
	s1 =	sadd.s32 s1, s30  }
0xba: {  	s0 =	sor.u32 s3, s0;
	s1 =	sshll.u32 s1, $0x11  }
0xbb: {  	s0 =	sor.u32 s1, s0  }
0xbc: {  	s0 =	sadd.s32 $0x8F2B, s0  }
0xbd: {  	[sflag:s0] =	ssyncadd.remote.s32 $0x1  }
0xbe: {  	_ =	sfence.sel $0xFFFF  }
0xbf: {  	[dreg:$0x0] =	wrdreg $0xFFFFFFFF;
	(pc) =	sbr.abs _section_cstart, $3  }
0xc0: {  	[dreg:$0x1] =	wrdreg $0xFFFFFFFF  }
0xc1: {  	_ =	task.clear_ibuf [dreg:s7], $0x2FFFF;
	_ =	strace $0x9FFFFFFF  }
0xc2: {  	(tm) =	ssettm $0x7FFFFFFF  }
0xc3: {  	_ =	shalt  }
tec
execute0_lowered:
.L_overlay_start_1:
0x0: {  	(tag) =	ssettag $0x1  }
0x1: {  	s4 =	rddreg [dreg:$0x0];
	s1 =	srdreg.scid  }
0x2: {  	s0 =	stileid.u32;
	s5 =	rddreg [dreg:$0x1];
	s2 =	simm.s32 $0x0  }
0x3: {  	s10 =	simm.s32 $0x1BB00;
	s11 =	simm.s32 $0x3;
	s12 =	simm.s32 $0x0  }
0x4: {  	s3 =	sand.u32 $0x1, s1;
	s6 =	sshll.u32 s0, $0x1;
	s1 =	rddreg [dreg:$0x2]  }
0x5: {  	[smem:$0x7FF] =	sst s2;
	s6 =	sor.u32 s3, s6;
	s7 =	ssub.s32 $0x2, s3  }
0x6: {  	_ =	strace $0x80000047;
	s6 =	smul.u32 $0x680, s6;
	s8 =	sshrl.u32 s7, $0x1  }
0x7: {  	s3 =	sadd.s32 $0x800, s4;
	s7 =	ssub.s32 s7, s8;
	s8 =	simm.s32 $0x2  }
0x8: {  	s9 =	sadd.s32 s6, s4;
	s4 =	sadd.s32 s5, s6;
	s6 =	smax.u32 s7, $0x1  }
0x9: {  	s7 =	simm.s32 $0x18700;
	s5 =	sadd.s32 $0x3A00, s9;
	s9 =	simm.s32 $0x1  }
.LBB2_1:
0xa: {  	[tilespmem:s2], [sflag:$0x1] =	stream.linear.gather [hbm4b:s3+s2], $0x18700, $0x38;
	[tilespmem:$0x1EF00] =	vst v63  }
0xb: {  	_ = 	snop  }
0xc: {  	[tilespmem:s7], [sflag:$0x2] =	stream.linear.gather [hbm4b:s4+s2], $0x3400, $0x38;
	[tilespmem:$0x1EF00] =	vst v63  }
0xd: {  	_ =	swait.ge [sflag:s8], $0x3400  }
0xe: {  	[sflag:s8] =	ssyncset.done $0x0  }
0xf: {  	[sflag:s8] =	ssyncadd.s32 $0xFFFFCC00  }
0x10: {  	_ =	swait.ge [sflag:s9], $0x18700  }
0x11: {  	[sflag:s9] =	ssyncset.done $0x0  }
0x12: {  	s13 =	simm.s32 $0x18780;
	[sflag:s9] =	ssyncadd.s32 $0xFFFE7900  }
0x13: {  	v0 =	vld [tilespmem:s13+$0x70]  }
0x14: {  	v1 =	vld [tilespmem:s13+$0xFFFFFF90]  }
0x15: {  	v2 =	vld [tilespmem:s13+$0xFFFFFFA0]  }
0x16: {  	v3 =	vld [tilespmem:s13+$0xFFFFFFB0]  }
0x17: {  	v4 =	vld [tilespmem:s13+$0xFFFFFFC0]  }
0x18: {  	v5 =	vld [tilespmem:s13+$0xFFFFFFD0]  }
0x19: {  	v6 =	vld [tilespmem:s13+$0xFFFFFFE0]  }
0x1a: {  	v7 =	vld [tilespmem:s13+$0xFFFFFFF0]  }
0x1b: {  	v8 =	vld [tilespmem:s13+$0x0]  }
0x1c: {  	v9 =	vld [tilespmem:s13+$0x10]  }
0x1d: {  	v10 =	vld [tilespmem:s13+$0x20]  }
0x1e: {  	v11 =	vld [tilespmem:s13+$0x30]  }
0x1f: {  	v12 =	vld [tilespmem:s13+$0x40]  }
0x20: {  	v13 =	vld [tilespmem:s13+$0x50]  }
0x21: {  	v14 =	vld [tilespmem:s13+$0x60]  }
0x22: {  	v15 =	vld [tilespmem:s13+$0xFFFFFF80]  }
0x23: {  	v0 =	vld.idx.msk [tilespmem:v0+s2+$0x0], $0xffff  }
0x24: {  	v1 =	vld.idx.msk [tilespmem:v1+s2+$0x0], $0xffff  }
0x25: {  	v2 =	vld.idx.msk [tilespmem:v2+s2+$0x0], $0xffff  }
0x26: {  	v3 =	vld.idx.msk [tilespmem:v3+s2+$0x0], $0xffff  }
0x27: {  	v4 =	vld.idx.msk [tilespmem:v4+s2+$0x0], $0xffff  }
0x28: {  	s13 =	simm.s32 $0x1BB80;
	v5 =	vld.idx.msk [tilespmem:v5+s2+$0x0], $0xffff  }
0x29: {  	v6 =	vld.idx.msk [tilespmem:v6+s2+$0x0], $0xffff;
	[tilespmem:s13+$0x70] =	vst v0  }
0x2a: {  	v7 =	vld.idx.msk [tilespmem:v7+s2+$0x0], $0xffff;
	[tilespmem:s13+$0xFFFFFF90] =	vst v1  }
0x2b: {  	v15 =	vld.idx.msk [tilespmem:v15+s2+$0x0], $0xffff;
	[tilespmem:s13+$0xFFFFFFA0] =	vst v2  }
0x2c: {  	v8 =	vld.idx.msk [tilespmem:v8+s2+$0x0], $0xffff;
	[tilespmem:s13+$0xFFFFFFB0] =	vst v3  }
0x2d: {  	[tilespmem:s13+$0xFFFFFFC0] =	vst v4;
	v0 =	vld.idx.msk [tilespmem:v9+s2+$0x0], $0xffff  }
0x2e: {  	[tilespmem:s13+$0xFFFFFFD0] =	vst v5;
	v1 =	vld.idx.msk [tilespmem:v10+s2+$0x0], $0xffff  }
0x2f: {  	[tilespmem:s13+$0xFFFFFFE0] =	vst v6;
	v2 =	vld.idx.msk [tilespmem:v11+s2+$0x0], $0xffff  }
0x30: {  	[tilespmem:s13+$0xFFFFFFF0] =	vst v7;
	v3 =	vld.idx.msk [tilespmem:v12+s2+$0x0], $0xffff  }
0x31: {  	[tilespmem:s13+$0xFFFFFF80] =	vst v15;
	v4 =	vld.idx.msk [tilespmem:v13+s2+$0x0], $0xffff  }
0x32: {  	s14 =	simm.s32 $0x0;
	s15 =	simm.s32 $0x18880;
	[tilespmem:s13+$0x0] =	vst v8;
	v5 =	vld.idx.msk [tilespmem:v14+s2+$0x0], $0xffff  }
.LBB2_2:
0x33: {  	v6 =	vld [tilespmem:s15+$0x70];
	s14 =	sadd.s32 $0x100, s14;
	[tilespmem:s13+$0x10] =	vst v0  }
0x34: {  	v0 =	vld [tilespmem:s15+$0xFFFFFF90];
	p0 =	slt.u32 s14, $0x3300;
	[tilespmem:s13+$0x20] =	vst v1  }
0x35: {  	v1 =	vld [tilespmem:s15+$0xFFFFFFA0];
	[tilespmem:s13+$0x30] =	vst v2  }
0x36: {  	v2 =	vld [tilespmem:s15+$0xFFFFFFB0];
	[tilespmem:s13+$0x40] =	vst v3  }
0x37: {  	v3 =	vld [tilespmem:s15+$0xFFFFFFC0];
	[tilespmem:s13+$0x50] =	vst v4  }
0x38: {  	v4 =	vld [tilespmem:s15+$0xFFFFFFD0];
	[tilespmem:s13+$0x60] =	vst v5  }
0x39: {  	v5 =	vld [tilespmem:s15+$0xFFFFFFE0]  }
0x3a: {  	v7 =	vld [tilespmem:s15+$0xFFFFFFF0]  }
0x3b: {  	v6 =	vld.idx.msk [tilespmem:v6+s2+$0x0], $0xffff  }
0x3c: {  	v8 =	vld [tilespmem:s15+$0x0]  }
0x3d: {  	v9 =	vld [tilespmem:s15+$0x10]  }
0x3e: {  	v10 =	vld [tilespmem:s15+$0x20]  }
0x3f: {  	v11 =	vld [tilespmem:s15+$0x30]  }
0x40: {  	s13 =	sadd.s32 $0x100, s13;
	v12 =	vld [tilespmem:s15+$0x40]  }
0x41: {  	v13 =	vld [tilespmem:s15+$0x50];
	[tilespmem:s13+$0x70] =	vst v6  }
0x42: {  	v6 =	vld [tilespmem:s15+$0x60]  }
0x43: {  	v14 =	vld [tilespmem:s15+$0xFFFFFF80]  }
0x44: {  	v0 =	vld.idx.msk [tilespmem:v0+s2+$0x0], $0xffff  }
0x45: {  	v1 =	vld.idx.msk [tilespmem:v1+s2+$0x0], $0xffff  }
0x46: {  	v2 =	vld.idx.msk [tilespmem:v2+s2+$0x0], $0xffff  }
0x47: {  	v3 =	vld.idx.msk [tilespmem:v3+s2+$0x0], $0xffff  }
0x48: {  	v4 =	vld.idx.msk [tilespmem:v4+s2+$0x0], $0xffff  }
0x49: {  	v5 =	vld.idx.msk [tilespmem:v5+s2+$0x0], $0xffff  }
0x4a: {  	[tilespmem:s13+$0xFFFFFF90] =	vst v0;
	v7 =	vld.idx.msk [tilespmem:v7+s2+$0x0], $0xffff  }
0x4b: {  	v14 =	vld.idx.msk [tilespmem:v14+s2+$0x0], $0xffff;
	[tilespmem:s13+$0xFFFFFFA0] =	vst v1  }
0x4c: {  	[tilespmem:s13+$0xFFFFFFB0] =	vst v2;
	v8 =	vld.idx.msk [tilespmem:v8+s2+$0x0], $0xffff  }
0x4d: {  	[tilespmem:s13+$0xFFFFFFC0] =	vst v3;
	v0 =	vld.idx.msk [tilespmem:v9+s2+$0x0], $0xffff  }
.Ltmp0:
0x4e: {  	[tilespmem:s13+$0xFFFFFFD0] =	vst v4;
	v1 =	vld.idx.msk [tilespmem:v10+s2+$0x0], $0xffff;
	(pc) =	sbr.rel @p0 .LBB2_2-.Ltmp0, $4  }
0x4f: {  	[tilespmem:s13+$0xFFFFFFE0] =	vst v5;
	v2 =	vld.idx.msk [tilespmem:v11+s2+$0x0], $0xffff  }
0x50: {  	[tilespmem:s13+$0xFFFFFFF0] =	vst v7;
	v3 =	vld.idx.msk [tilespmem:v12+s2+$0x0], $0xffff  }
0x51: {  	[tilespmem:s13+$0xFFFFFF80] =	vst v14;
	v4 =	vld.idx.msk [tilespmem:v13+s2+$0x0], $0xffff  }
0x52: {  	s15 =	sadd.s32 $0x100, s15;
	[tilespmem:s13+$0x0] =	vst v8;
	v5 =	vld.idx.msk [tilespmem:v6+s2+$0x0], $0xffff  }
0x53: {  	[tilespmem:s13+$0x10] =	vst v0  }
0x54: {  	[tilespmem:s13+$0x20] =	vst v1  }
0x55: {  	[tilespmem:s13+$0x30] =	vst v2  }
0x56: {  	s12 =	sadd.s32 $0x1, s12;
	[tilespmem:s13+$0x40] =	vst v3  }
0x57: {  	p0 =	sne.s32 s12, s6;
	[tilespmem:s13+$0x50] =	vst v4  }
.Ltmp1:
0x58: {  	[tilespmem:s13+$0x60] =	vst v5;
	(pc) =	sbr.rel @p0 .LBB2_1-.Ltmp1, $4  }
0x59: {  	[hbm4b:s5+s2] =	stream.linear.scatter [tilespmem:s10], [sflag:$0x3], $0x3400, $0x38;
	[tilespmem:$0x1EF00] =	vst v63  }
0x5a: {  	_ =	swait.ge [sflag:s11], $0x3400  }
0x5b: {  	[sflag:s11] =	ssyncset.done $0x0  }
0x5c: {  	[sflag:s11] =	ssyncadd.s32 $0xFFFFCC00  }
0x5d: {  	_ =	sfence.sel $0x180000  }
0x5e: {  	[bflag:$0x0] =	sbarrier.arrive $0xFFFF  }
0x5f: {  	p0 =	sne.s32 s0, $0x0;
	_ =	strace $0x90000047  }
0x60: {  	s0 =	sadd.s32 @!p0 $0x100000, s1;
	[bflag:$0x2] =	sbarrier.arrive $0xFFFF  }
0x61: {  	[sflag:s0] =	ssyncadd.tile.s32 @!p0 $0x1;
	_ =	shalt  }
.Lfunc_end2:
_tile_overlayer_lowered:
.L_overlay_start_2:
0x62: {  	(tag) =	ssettag $0x2  }
0x63: {  	s0 =	rddreg [dreg:$0x0];
	s2 =	stileid.u32  }
0x64: {  	s1 =	rddreg [dreg:$0x1];
	p0 =	sne.s32 s2, $0x0  }
0x65: {  	s3 =	rddreg [dreg:$0x2];
	[bflag:$0x3] =	sbarrier.arrive $0xFFFF;
	s2 =	simm.s32 @!p0 $0x1C03  }
0x66: {  	[timem:s3], [sflag:s2] =	dma.local @!p0 [hbm:s0], s1  }
0x67: {  	s0 =	simm.s32 @!p0 $0x3  }
0x68: {  	_ =	swait.ge @!p0 [sflag:s0], s1  }
0x69: {  	s1 =	ssub.s32 @!p0 $0x0, s1;
	[sflag:s0] =	ssyncset.done @!p0 $0x0  }
0x6a: {  	[sflag:s0] =	ssyncadd.s32 @!p0 s1  }
0x6b: {  	[bflag:$0x3] =	sbarrier.arrive $0xFFFF  }
0x6c: {  	_ =	shalt  }

</sc_bundles>
